<compile_context>
chip_gen: v7x
topology: tpu7x:2x2x1
jax: 0.10.2.dev20260603
libtpu: 0.0.44.dev20260713+nightly
codegen_flags: <defaults>
</compile_context>

<pallas_src>
import functools

import jax
import jax.numpy as jnp
from jax import lax
from jax.experimental import pallas as pl
from jax.experimental.pallas import tpu as pltpu
from jax.experimental.pallas import tpu_sc as plsc

M_COLS = 28
MPAD = 32
ALPHA_SLOPE = 0.2
BN = 1000
PAR = 2
NSUB = 32
ROWS_PER = 313



def _stage_a(x_ref, x28_ref, w_ref, a_ref, s1_ref, h28_ref, s2_ref, w1_sc):
    j = pl.program_id(1)
    d = w_ref.shape[0]

    @pl.when(j == 0)
    def _prologue():
        w = w_ref[...]
        h28 = jax.lax.dot_general(x28_ref[...], w, (((1,), (1,)), ((), ())),
                                  preferred_element_type=jnp.float32)
        h28_ref[...] = h28
        w1_sc[...] = jnp.dot(a_ref[:, :d], w, preferred_element_type=jnp.float32)
        s2_ref[...] = jax.lax.dot_general(a_ref[:, d:], h28,
                                          (((1,), (1,)), ((), ())),
                                          preferred_element_type=jnp.float32)

    s1 = jnp.sum(x_ref[...] * w1_sc[...], axis=1, keepdims=True)
    s1_ref[...] = jnp.broadcast_to(s1, (s1.shape[0], MPAD))



def _stage_b(s1_hbm, s2_hbm, edge_hbm, e_hbm, s1_v, s2_v, edge_v, e_v):
    wid = lax.axis_index("s") * 2 + lax.axis_index("c")
    start = wid * (ROWS_PER * MPAD)
    pltpu.sync_copy(s1_hbm.at[pl.ds(start, ROWS_PER * MPAD)], s1_v)
    pltpu.sync_copy(s2_hbm, s2_v)
    pltpu.sync_copy(edge_hbm.at[pl.ds(start, ROWS_PER * MPAD)], edge_v)
    s2lo = s2_v[pl.ds(0, 16)]
    s2hi = s2_v[pl.ds(16, 16)]

    def body(i, carry):
        for half, s2h in ((0, s2lo), (1, s2hi)):
            off = i * MPAD + half * 16
            lg = s1_v[pl.ds(off, 16)] + s2h
            lr = jnp.where(lg >= 0, lg, ALPHA_SLOPE * lg)
            ev = jnp.where(edge_v[pl.ds(off, 16)] != 0, jnp.exp(-lr), 0.0)
            e_v[pl.ds(off, 16)] = ev
        return carry

    lax.fori_loop(0, ROWS_PER, body, 0)
    pltpu.sync_copy(e_v, e_hbm.at[pl.ds(start, ROWS_PER * MPAD)])



def _stage_c(e_ref, h28_ref, out_ref):
    e = e_ref[...]
    rowsum = jnp.sum(e, axis=1, keepdims=True)
    hp = jnp.dot(e, h28_ref[...], preferred_element_type=jnp.float32) / rowsum
    out_ref[...] = jnp.where(hp > 0, hp, jnp.exp(hp) - 1.0)


def kernel(x, edge, W, a):
    n, d_in = x.shape
    d_out = W.shape[0]
    npad = NSUB * ROWS_PER
    steps = n // (BN * PAR)

    s1b, h28, _s2 = pl.pallas_call(
        _stage_a,
        grid=(PAR, steps),
        in_specs=[
            pl.BlockSpec((BN, d_in), lambda i, j: (i * (n // (BN * PAR)) + j, 0)),
            pl.BlockSpec((MPAD, d_in), lambda i, j: (0, 0)),
            pl.BlockSpec((d_out, d_in), lambda i, j: (0, 0)),
            pl.BlockSpec((1, 2 * d_out), lambda i, j: (0, 0)),
        ],
        out_specs=[
            pl.BlockSpec((BN, MPAD), lambda i, j: (i * (n // (BN * PAR)) + j, 0)),
            pl.BlockSpec((MPAD, d_out), lambda i, j: (0, 0)),
            pl.BlockSpec((1, MPAD), lambda i, j: (0, 0)),
        ],
        out_shape=[
            jax.ShapeDtypeStruct((npad, MPAD), jnp.float32),
            jax.ShapeDtypeStruct((MPAD, d_out), jnp.float32),
            jax.ShapeDtypeStruct((1, MPAD), jnp.float32),
        ],
        scratch_shapes=[pltpu.VMEM((1, d_in), jnp.float32)],
        compiler_params=pltpu.CompilerParams(
            dimension_semantics=("parallel", "arbitrary")),
    )(x, x, W, a)

    s1_flat = s1b.reshape(-1)
    edge_flat = jnp.pad(edge, ((0, npad - n), (0, MPAD - M_COLS))).reshape(-1)
    s2_flat = _s2.reshape(-1)

    sc_edge = functools.partial(
        pl.kernel,
        mesh=plsc.VectorSubcoreMesh(core_axis_name="c", subcore_axis_name="s"),
        out_type=jax.ShapeDtypeStruct((npad * MPAD,), jnp.float32),
        scratch_types=[
            pltpu.VMEM((ROWS_PER * MPAD,), jnp.float32),
            pltpu.VMEM((MPAD,), jnp.float32),
            pltpu.VMEM((ROWS_PER * MPAD,), jnp.int32),
            pltpu.VMEM((ROWS_PER * MPAD,), jnp.float32),
        ],
    )(_stage_b)
    e_flat = sc_edge(s1_flat, s2_flat, edge_flat)
    e_mat = e_flat.reshape(npad, MPAD)

    return pl.pallas_call(
        _stage_c,
        grid=(PAR, steps),
        in_specs=[
            pl.BlockSpec((BN, MPAD), lambda i, j: (i * (n // (BN * PAR)) + j, 0)),
            pl.BlockSpec((MPAD, d_out), lambda i, j: (0, 0)),
        ],
        out_specs=pl.BlockSpec((BN, d_out), lambda i, j: (i * (n // (BN * PAR)) + j, 0)),
        out_shape=jax.ShapeDtypeStruct((n, d_out), jnp.float32),
        compiler_params=pltpu.CompilerParams(
            dimension_semantics=("parallel", "arbitrary")),
    )(e_mat, h28)

# --- scband reference (transcript-rebuilt; emitter-appended) ---
"""Pipeline reference for scband-sp-graph-attention-layer-11184094839120 (READ-ONLY COPY).

The authoritative reference and input builder live on the scoring server;
editing this copy changes nothing except your own understanding.
"""

import jax, jax.numpy as jnp
import numpy as np

N, M, D_IN, D_OUT, ALPHA = 10000, 28, 512, 512, 0.2


def setup_inputs(seed: int = 0) -> dict:
    key = jax.random.key(seed)
    k1, k2, k3, k4 = jax.random.split(key, 4)
    x = jax.random.normal(k1, (N, D_IN), dtype=jnp.float32)
    # dense 0/1 adjacency-like matrix; module calls edge.nonzero() internally
    edge = jax.random.randint(k2, (N, M), 0, 2, dtype=jnp.int32)
    # W mirrors nn.Linear(in_features, out_features, bias=False).weight: [out, in]
    W = jax.random.normal(k3, (D_OUT, D_IN), dtype=jnp.float32) * (1.0 / np.sqrt(D_IN))
    # a mirrors nn.Parameter of shape [1, 2*out_features] (xavier_normal-ish scale)
    a = jax.random.normal(k4, (1, 2 * D_OUT), dtype=jnp.float32) * 0.05
    return {"x": x, "edge": edge, "W": W, "a": a}


def reference(x, edge, W, a):
    n = x.shape[0]
    m = edge.shape[1]
    src = jnp.repeat(jnp.arange(n, dtype=jnp.int32), m)
    dst = jnp.tile(jnp.arange(m, dtype=jnp.int32), n)
    mask = edge.reshape(-1) != 0
    # h = W(input)
    h = x @ W.T
    # edge_h = cat(h[src], h[dst], dim=1).t()  -> we keep [E, 2*d] and dot with a
    edge_h = jnp.concatenate([jnp.take(h, src, axis=0), jnp.take(h, dst, axis=0)], axis=1)
    logits = (a @ edge_h.T).reshape(-1)
    edge_e = jnp.where(mask, jnp.exp(-jax.nn.leaky_relu(logits, negative_slope=ALPHA)), 0.0)
    # e_rowsum = spmm(edge, edge_e, [N,N], ones(N,1)) == segment_sum over src rows
    e_rowsum = jax.ops.segment_sum(edge_e, src, num_segments=n)[:, None]
    # dropout(p=0.0) is identity
    # h_prime = spmm(edge, edge_e, [N,N], h) == sum_j e_ij * h[j]
    h_prime = jax.ops.segment_sum(edge_e[:, None] * jnp.take(h, dst, axis=0), src, num_segments=n)
    h_prime = h_prime / e_rowsum
    # concat=True -> elu
    return jax.nn.elu(h_prime)

if __name__ == "__main__":
    import jax
    _d = setup_inputs()
    print(jax.jit(kernel)(*tuple(_d.values())))

</pallas_src>

<mosaic_0001>
#map = affine_map<(d0, d1) -> (0)>
module attributes {stable_mosaic.version = 14 : i64} {
  func.func @_stage_b(%arg0: i32, %arg1: i32, %arg2: memref<320512xf32, #tpu.memory_space<hbm>>, %arg3: memref<32xf32, #tpu.memory_space<hbm>>, %arg4: memref<320512xi32, #tpu.memory_space<hbm>>, %arg5: memref<320512xf32, #tpu.memory_space<hbm>>, %arg6: memref<10016xf32, #tpu.memory_space<vmem>>, %arg7: memref<32xf32, #tpu.memory_space<vmem>>, %arg8: memref<10016xi32, #tpu.memory_space<vmem>>, %arg9: memref<10016xf32, #tpu.memory_space<vmem>>) attributes {dimension_semantics = [#tpu.dimension_semantics<core_parallel>, #tpu.dimension_semantics<subcore_parallel>], iteration_bounds = array<i64: 2, 16>, scalar_prefetch = 0 : i64, scratch_operands = 4 : i64, tpu.core_type = #tpu.core_type<sc_vector_subcore>, window_params = [{transform_indices = #map}, {transform_indices = #map}, {transform_indices = #map}, {transform_indices = #map}]} {
    %mul3A = arith.constant 2 : i32
    %mul3A_0 = arith.muli %arg1, %mul3A : i32
    %add3A = arith.addi %mul3A_0, %arg0 : i32
    %mul3A_1 = arith.constant 10016 : i32
    %mul3A_2 = arith.muli %add3A, %mul3A_1 : i32
    "tpu.region"() ({
      %run_scoped3A = tpu.sem_alloc : memref<!tpu.dma_semaphore, #tpu.memory_space<semaphore_mem>>
      %dma_start3A = tpu.memref_slice %arg2[%mul3A_2] : memref<320512xf32, #tpu.memory_space<hbm>> -> memref<10016xf32, #tpu.memory_space<hbm>>
      %dma_start3A_13 = tpu.memref_slice %arg2[%mul3A_2] : memref<320512xf32, #tpu.memory_space<hbm>> -> memref<10016xf32, #tpu.memory_space<hbm>>
      tpu.enqueue_dma source(%dma_start3A_13 : memref<10016xf32, #tpu.memory_space<hbm>>) target(%arg6 : memref<10016xf32, #tpu.memory_space<vmem>>) target_semaphore(%run_scoped3A : memref<!tpu.dma_semaphore, #tpu.memory_space<semaphore_mem>>)
      %dma_wait3A = tpu.memref_slice %arg2[%mul3A_2] : memref<320512xf32, #tpu.memory_space<hbm>> -> memref<10016xf32, #tpu.memory_space<hbm>>
      %dma_wait3A_14 = tpu.memref_slice %arg2[%mul3A_2] : memref<320512xf32, #tpu.memory_space<hbm>> -> memref<10016xf32, #tpu.memory_space<hbm>>
      tpu.wait_dma2 semaphore(%run_scoped3A : memref<!tpu.dma_semaphore, #tpu.memory_space<semaphore_mem>>) src(%dma_wait3A_14 : memref<10016xf32, #tpu.memory_space<hbm>>) dst(%arg6 : memref<10016xf32, #tpu.memory_space<vmem>>)
      tpu.yield
    }) : () -> ()
    "tpu.region"() ({
      %run_scoped3A = tpu.sem_alloc : memref<!tpu.dma_semaphore, #tpu.memory_space<semaphore_mem>>
      tpu.enqueue_dma source(%arg3 : memref<32xf32, #tpu.memory_space<hbm>>) target(%arg7 : memref<32xf32, #tpu.memory_space<vmem>>) target_semaphore(%run_scoped3A : memref<!tpu.dma_semaphore, #tpu.memory_space<semaphore_mem>>)
      tpu.wait_dma2 semaphore(%run_scoped3A : memref<!tpu.dma_semaphore, #tpu.memory_space<semaphore_mem>>) src(%arg3 : memref<32xf32, #tpu.memory_space<hbm>>) dst(%arg7 : memref<32xf32, #tpu.memory_space<vmem>>)
      tpu.yield
    }) : () -> ()
    "tpu.region"() ({
      %run_scoped3A = tpu.sem_alloc : memref<!tpu.dma_semaphore, #tpu.memory_space<semaphore_mem>>
      %dma_start3A = tpu.memref_slice %arg4[%mul3A_2] : memref<320512xi32, #tpu.memory_space<hbm>> -> memref<10016xi32, #tpu.memory_space<hbm>>
      %dma_start3A_13 = tpu.memref_slice %arg4[%mul3A_2] : memref<320512xi32, #tpu.memory_space<hbm>> -> memref<10016xi32, #tpu.memory_space<hbm>>
      tpu.enqueue_dma source(%dma_start3A_13 : memref<10016xi32, #tpu.memory_space<hbm>>) target(%arg8 : memref<10016xi32, #tpu.memory_space<vmem>>) target_semaphore(%run_scoped3A : memref<!tpu.dma_semaphore, #tpu.memory_space<semaphore_mem>>)
      %dma_wait3A = tpu.memref_slice %arg4[%mul3A_2] : memref<320512xi32, #tpu.memory_space<hbm>> -> memref<10016xi32, #tpu.memory_space<hbm>>
      %dma_wait3A_14 = tpu.memref_slice %arg4[%mul3A_2] : memref<320512xi32, #tpu.memory_space<hbm>> -> memref<10016xi32, #tpu.memory_space<hbm>>
      tpu.wait_dma2 semaphore(%run_scoped3A : memref<!tpu.dma_semaphore, #tpu.memory_space<semaphore_mem>>) src(%dma_wait3A_14 : memref<10016xi32, #tpu.memory_space<hbm>>) dst(%arg8 : memref<10016xi32, #tpu.memory_space<vmem>>)
      tpu.yield
    }) : () -> ()
    %get3A = arith.constant 0 : index
    %get3A_3 = tpu.vector_load %arg7[%get3A] {strides = array<i32>} : memref<32xf32, #tpu.memory_space<vmem>>, vector<16xf32>,
    %get3A_4 = vector.shape_cast %get3A_3 : vector<16xf32> to vector<16xf32>
    %get3A_5 = arith.constant 16 : index
    %get3A_6 = tpu.vector_load %arg7[%get3A_5] {strides = array<i32>} : memref<32xf32, #tpu.memory_space<vmem>>, vector<16xf32>,
    %get3A_7 = vector.shape_cast %get3A_6 : vector<16xf32> to vector<16xf32>
    %scan3A = arith.constant 0 : i32
    %scan3A_8 = arith.constant 0 : i32
    %scan3A_9 = arith.constant 313 : i32
    %scan3A_10 = arith.addi %scan3A_8, %scan3A_9 : i32
    %scan3A_11 = arith.constant 1 : i32
    scf.for %scan3A_13 = %scan3A_8 to %scan3A_10 step %scan3A_11  : i32 {
      %mul3A_14 = arith.constant 32 : i32
      %mul3A_15 = arith.muli %scan3A_13, %mul3A_14 : i32
      %add3A_16 = arith.constant 0 : i32
      %add3A_17 = arith.addi %mul3A_15, %add3A_16 : i32
      %get3A_18 = arith.index_cast %add3A_17 : i32 to index
      %get3A_19 = tpu.vector_load %arg6[%get3A_18] {strides = array<i32>} : memref<10016xf32, #tpu.memory_space<vmem>>, vector<16xf32>,
      %get3A_20 = vector.shape_cast %get3A_19 : vector<16xf32> to vector<16xf32>
      %add3A_21 = arith.addf %get3A_20, %get3A_4 : vector<16xf32>
      %ge3A = arith.constant 0.000000e+00 : f32
      %ge3A_22 = vector.broadcast %ge3A : f32 to vector<16xf32>
      %ge3A_23 = arith.cmpf oge, %add3A_21, %ge3A_22 : vector<16xf32>
      %mul3A_24 = arith.constant 2.000000e-01 : f32
      %mul3A_25 = vector.broadcast %mul3A_24 : f32 to vector<16xf32>
      %mul3A_26 = arith.mulf %mul3A_25, %add3A_21 : vector<16xf32>
      %select_n3A = arith.select %ge3A_23, %add3A_21, %mul3A_26 : vector<16xi1>, vector<16xf32>
      %get3A_27 = arith.index_cast %add3A_17 : i32 to index
      %get3A_28 = tpu.vector_load %arg8[%get3A_27] {strides = array<i32>} : memref<10016xi32, #tpu.memory_space<vmem>>, vector<16xi32>,
      %get3A_29 = vector.shape_cast %get3A_28 : vector<16xi32> to vector<16xi32>
      %ne3A = arith.constant 0 : i32
      %ne3A_30 = vector.broadcast %ne3A : i32 to vector<16xi32>
      %ne3A_31 = arith.cmpi ne, %get3A_29, %ne3A_30 : vector<16xi32>
      %neg3A = arith.constant 0.000000e+00 : f32
      %neg3A_32 = vector.broadcast %neg3A : f32 to vector<16xf32>
      %neg3A_33 = arith.subf %neg3A_32, %select_n3A : vector<16xf32>
      %exp3A = math.exp %neg3A_33 : vector<16xf32>
      %jit3A = arith.constant 0.000000e+00 : f32
      %broadcast_in_dim3A = vector.broadcast %jit3A : f32 to vector<16xf32>
      %select_n3A_34 = arith.select %ne3A_31, %exp3A, %broadcast_in_dim3A : vector<16xi1>, vector<16xf32>
      %swap3A = arith.index_cast %add3A_17 : i32 to index
      %swap3A_35 = tpu.vector_load %arg9[%swap3A] {strides = array<i32>} : memref<10016xf32, #tpu.memory_space<vmem>>, vector<16xf32>,
      %swap3A_36 = vector.shape_cast %swap3A_35 : vector<16xf32> to vector<16xf32>
      %swap3A_37 = vector.shape_cast %select_n3A_34 : vector<16xf32> to vector<16xf32>
      tpu.vector_store %arg9[%swap3A], %swap3A_37 {strides = array<i32>} : memref<10016xf32, #tpu.memory_space<vmem>>, vector<16xf32>,
      %mul3A_38 = arith.constant 32 : i32
      %mul3A_39 = arith.muli %scan3A_13, %mul3A_38 : i32
      %add3A_40 = arith.constant 16 : i32
      %add3A_41 = arith.addi %mul3A_39, %add3A_40 : i32
      %get3A_42 = arith.index_cast %add3A_41 : i32 to index
      %get3A_43 = tpu.vector_load %arg6[%get3A_42] {strides = array<i32>} : memref<10016xf32, #tpu.memory_space<vmem>>, vector<16xf32>,
      %get3A_44 = vector.shape_cast %get3A_43 : vector<16xf32> to vector<16xf32>
      %add3A_45 = arith.addf %get3A_44, %get3A_7 : vector<16xf32>
      %ge3A_46 = arith.constant 0.000000e+00 : f32
      %ge3A_47 = vector.broadcast %ge3A_46 : f32 to vector<16xf32>
      %ge3A_48 = arith.cmpf oge, %add3A_45, %ge3A_47 : vector<16xf32>
      %mul3A_49 = arith.constant 2.000000e-01 : f32
      %mul3A_50 = vector.broadcast %mul3A_49 : f32 to vector<16xf32>
      %mul3A_51 = arith.mulf %mul3A_50, %add3A_45 : vector<16xf32>
      %select_n3A_52 = arith.select %ge3A_48, %add3A_45, %mul3A_51 : vector<16xi1>, vector<16xf32>
      %get3A_53 = arith.index_cast %add3A_41 : i32 to index
      %get3A_54 = tpu.vector_load %arg8[%get3A_53] {strides = array<i32>} : memref<10016xi32, #tpu.memory_space<vmem>>, vector<16xi32>,
      %get3A_55 = vector.shape_cast %get3A_54 : vector<16xi32> to vector<16xi32>
      %ne3A_56 = arith.constant 0 : i32
      %ne3A_57 = vector.broadcast %ne3A_56 : i32 to vector<16xi32>
      %ne3A_58 = arith.cmpi ne, %get3A_55, %ne3A_57 : vector<16xi32>
      %neg3A_59 = arith.constant 0.000000e+00 : f32
      %neg3A_60 = vector.broadcast %neg3A_59 : f32 to vector<16xf32>
      %neg3A_61 = arith.subf %neg3A_60, %select_n3A_52 : vector<16xf32>
      %exp3A_62 = math.exp %neg3A_61 : vector<16xf32>
      %jit3A_63 = arith.constant 0.000000e+00 : f32
      %broadcast_in_dim3A_64 = vector.broadcast %jit3A_63 : f32 to vector<16xf32>
      %select_n3A_65 = arith.select %ne3A_58, %exp3A_62, %broadcast_in_dim3A_64 : vector<16xi1>, vector<16xf32>
      %swap3A_66 = arith.index_cast %add3A_41 : i32 to index
      %swap3A_67 = tpu.vector_load %arg9[%swap3A_66] {strides = array<i32>} : memref<10016xf32, #tpu.memory_space<vmem>>, vector<16xf32>,
      %swap3A_68 = vector.shape_cast %swap3A_67 : vector<16xf32> to vector<16xf32>
      %swap3A_69 = vector.shape_cast %select_n3A_65 : vector<16xf32> to vector<16xf32>
      tpu.vector_store %arg9[%swap3A_66], %swap3A_69 {strides = array<i32>} : memref<10016xf32, #tpu.memory_space<vmem>>, vector<16xf32>,
    }
    %scan3A_12 = arith.constant 313 : i32
    "tpu.region"() ({
      %run_scoped3A = tpu.sem_alloc : memref<!tpu.dma_semaphore, #tpu.memory_space<semaphore_mem>>
      %dma_start3A = tpu.memref_slice %arg5[%mul3A_2] : memref<320512xf32, #tpu.memory_space<hbm>> -> memref<10016xf32, #tpu.memory_space<hbm>>
      %dma_start3A_13 = tpu.memref_slice %arg5[%mul3A_2] : memref<320512xf32, #tpu.memory_space<hbm>> -> memref<10016xf32, #tpu.memory_space<hbm>>
      tpu.enqueue_dma source(%arg9 : memref<10016xf32, #tpu.memory_space<vmem>>) target(%dma_start3A_13 : memref<10016xf32, #tpu.memory_space<hbm>>) target_semaphore(%run_scoped3A : memref<!tpu.dma_semaphore, #tpu.memory_space<semaphore_mem>>)
      %dma_wait3A = tpu.memref_slice %arg5[%mul3A_2] : memref<320512xf32, #tpu.memory_space<hbm>> -> memref<10016xf32, #tpu.memory_space<hbm>>
      %dma_wait3A_14 = tpu.memref_slice %arg5[%mul3A_2] : memref<320512xf32, #tpu.memory_space<hbm>> -> memref<10016xf32, #tpu.memory_space<hbm>>
      tpu.wait_dma2 semaphore(%run_scoped3A : memref<!tpu.dma_semaphore, #tpu.memory_space<semaphore_mem>>) src(%arg9 : memref<10016xf32, #tpu.memory_space<vmem>>) dst(%dma_wait3A_14 : memref<10016xf32, #tpu.memory_space<hbm>>)
      tpu.yield
    }) : () -> ()
    return
  }
}

module attributes {stable_mosaic.version = 14 : i64} {
  func.func @_stage_a(%arg0: i32, %arg1: i32, %arg2: memref<1000x512xf32, #tpu.memory_space<vmem>>, %arg3: memref<32x512xf32, #tpu.memory_space<vmem>>, %arg4: memref<512x512xf32, #tpu.memory_space<vmem>>, %arg5: memref<1x1024xf32, #tpu.memory_space<vmem>>, %arg6: memref<1000x32xf32, #tpu.memory_space<vmem>>, %arg7: memref<32x512xf32, #tpu.memory_space<vmem>>, %arg8: memref<1x32xf32, #tpu.memory_space<vmem>>, %arg9: memref<1x512xf32, #tpu.memory_space<vmem>>) attributes {dimension_semantics = [#tpu.dimension_semantics<parallel>, #tpu.dimension_semantics<arbitrary>], iteration_bounds = array<i64: 2, 5>, scalar_prefetch = 0 : i64, scratch_operands = 1 : i64, tpu.core_type = #tpu.core_type<tc>, window_params = [{transform_indices = @transform_0, window_bounds = array<i64: 1000, 512>}, {transform_indices = @transform_1, window_bounds = array<i64: 32, 512>}, {pipeline_mode = #tpu.pipeline_mode<synchronous>, transform_indices = @transform_2, window_bounds = array<i64: 512, 512>}, {pipeline_mode = #tpu.pipeline_mode<synchronous>, transform_indices = @transform_3, window_bounds = array<i64: 1, 1024>}, {transform_indices = @transform_4, window_bounds = array<i64: 1000, 32>}, {pipeline_mode = #tpu.pipeline_mode<synchronous>, transform_indices = @transform_5, window_bounds = array<i64: 32, 512>}, {pipeline_mode = #tpu.pipeline_mode<synchronous>, transform_indices = @transform_6, window_bounds = array<i64: 1, 32>}]} {
    %eq3A = arith.constant 0 : i32
    %eq3A_0 = arith.cmpi eq, %arg1, %eq3A : i32
    %convert_element_type3A = arith.extui %eq3A_0 : i1 to i32
    %cond3A = arith.constant 0 : i32
    %cond3A_1 = arith.cmpi ne, %convert_element_type3A, %cond3A : i32
    scf.if %cond3A_1 {
      %get3A_13 = arith.constant 0 : index
      %get3A_14 = arith.constant 0 : index
      %get3A_15 = vector.load %arg4[%get3A_13, %get3A_14] : memref<512x512xf32, #tpu.memory_space<vmem>>, vector<512x512xf32>
      %get3A_16 = arith.constant 0 : index
      %get3A_17 = arith.constant 0 : index
      %get3A_18 = vector.load %arg3[%get3A_16, %get3A_17] : memref<32x512xf32, #tpu.memory_space<vmem>>, vector<32x512xf32>
      %dot_general3A = arith.constant dense<0.000000e+00> : vector<32x512xf32>
      %dot_general3A_19 = tpu.matmul %get3A_18, %get3A_15, %dot_general3A {dimension_numbers = #tpu.dot_dimension_numbers<[1], [1], [0], [0], [0, 0, 1, 0], [], []>, transpose_lhs_hint = false} : vector<32x512xf32>, vector<512x512xf32>, vector<32x512xf32> -> vector<32x512xf32>
      %swap3A_20 = arith.constant 0 : index
      %swap3A_21 = arith.constant 0 : index
      %swap3A_22 = vector.load %arg7[%swap3A_20, %swap3A_21] : memref<32x512xf32, #tpu.memory_space<vmem>>, vector<32x512xf32>
      tpu.vector_store %arg7[%swap3A_20, %swap3A_21], %dot_general3A_19 {strides = array<i32>} : memref<32x512xf32, #tpu.memory_space<vmem>>, vector<32x512xf32>,
      %get3A_23 = arith.constant 0 : index
      %get3A_24 = arith.constant 0 : index
      %get3A_25 = vector.load %arg5[%get3A_23, %get3A_24] : memref<1x1024xf32, #tpu.memory_space<vmem>>, vector<1x512xf32>
      %dot_general3A_26 = arith.constant dense<0.000000e+00> : vector<1x512xf32>
      %dot_general3A_27 = tpu.matmul %get3A_25, %get3A_15, %dot_general3A_26 {dimension_numbers = #tpu.dot_dimension_numbers<[1], [0], [0], [1], [0, 0, 1, 1], [], []>, transpose_lhs_hint = false} : vector<1x512xf32>, vector<512x512xf32>, vector<1x512xf32> -> vector<1x512xf32>
      %swap3A_28 = arith.constant 0 : index
      %swap3A_29 = arith.constant 0 : index
      %swap3A_30 = vector.load %arg9[%swap3A_28, %swap3A_29] : memref<1x512xf32, #tpu.memory_space<vmem>>, vector<1x512xf32>
      tpu.vector_store %arg9[%swap3A_28, %swap3A_29], %dot_general3A_27 {strides = array<i32>} : memref<1x512xf32, #tpu.memory_space<vmem>>, vector<1x512xf32>,
      %get3A_31 = arith.constant 0 : index
      %get3A_32 = arith.constant 512 : index
      %get3A_33 = vector.load %arg5[%get3A_31, %get3A_32] : memref<1x1024xf32, #tpu.memory_space<vmem>>, vector<1x512xf32>
      %dot_general3A_34 = arith.constant dense<0.000000e+00> : vector<1x32xf32>
      %dot_general3A_35 = tpu.matmul %get3A_33, %dot_general3A_19, %dot_general3A_34 {dimension_numbers = #tpu.dot_dimension_numbers<[1], [1], [0], [0], [0, 0, 1, 0], [], []>, transpose_lhs_hint = false} : vector<1x512xf32>, vector<32x512xf32>, vector<1x32xf32> -> vector<1x32xf32>
      %swap3A_36 = arith.constant 0 : index
      %swap3A_37 = arith.constant 0 : index
      %swap3A_38 = vector.load %arg8[%swap3A_36, %swap3A_37] : memref<1x32xf32, #tpu.memory_space<vmem>>, vector<1x32xf32>
      tpu.vector_store %arg8[%swap3A_36, %swap3A_37], %dot_general3A_35 {strides = array<i32>} : memref<1x32xf32, #tpu.memory_space<vmem>>, vector<1x32xf32>,
    } else {
    }
    %get3A = arith.constant 0 : index
    %get3A_2 = arith.constant 0 : index
    %get3A_3 = vector.load %arg2[%get3A, %get3A_2] : memref<1000x512xf32, #tpu.memory_space<vmem>>, vector<1000x512xf32>
    %get3A_4 = arith.constant 0 : index
    %get3A_5 = arith.constant 0 : index
    %get3A_6 = vector.load %arg9[%get3A_4, %get3A_5] : memref<1x512xf32, #tpu.memory_space<vmem>>, vector<1x512xf32>
    %mul3A = vector.broadcast %get3A_6 : vector<1x512xf32> to vector<1000x512xf32>
    %mul3A_7 = arith.mulf %get3A_3, %mul3A : vector<1000x512xf32>
    %reduce_sum3A = arith.constant dense<0.000000e+00> : vector<1000xf32>
    %reduce_sum3A_8 = vector.multi_reduction <add>, %mul3A_7, %reduce_sum3A [1] : vector<1000x512xf32> to vector<1000xf32>
    %broadcast_in_dim3A = vector.shape_cast %reduce_sum3A_8 : vector<1000xf32> to vector<1000x1xf32>
    %broadcast_in_dim3A_9 = vector.shape_cast %broadcast_in_dim3A : vector<1000x1xf32> to vector<1000x1xf32>
    %broadcast_in_dim3A_10 = vector.broadcast %broadcast_in_dim3A_9 : vector<1000x1xf32> to vector<1000x32xf32>
    %swap3A = arith.constant 0 : index
    %swap3A_11 = arith.constant 0 : index
    %swap3A_12 = vector.load %arg6[%swap3A, %swap3A_11] : memref<1000x32xf32, #tpu.memory_space<vmem>>, vector<1000x32xf32>
    tpu.vector_store %arg6[%swap3A, %swap3A_11], %broadcast_in_dim3A_10 {strides = array<i32>} : memref<1000x32xf32, #tpu.memory_space<vmem>>, vector<1000x32xf32>,
    return
  }
  func.func @transform_0(%arg0: i32, %arg1: i32) -> (i32, i32) {
    %mul3A = arith.constant 5 : i32
    %mul3A_0 = arith.muli %arg0, %mul3A : i32
    %add3A = arith.addi %mul3A_0, %arg1 : i32
    %c0_i32 = arith.constant 0 : i32
    %c0_i32_1 = arith.constant 0 : i32
    return %add3A, %c0_i32 : i32, i32
  }
  func.func @transform_1(%arg0: i32, %arg1: i32) -> (i32, i32) {
    %c0_i32 = arith.constant 0 : i32
    %c0_i32_0 = arith.constant 0 : i32
    %c0_i32_1 = arith.constant 0 : i32
    return %c0_i32, %c0_i32_0 : i32, i32
  }
  func.func @transform_2(%arg0: i32, %arg1: i32) -> (i32, i32) {
    %c0_i32 = arith.constant 0 : i32
    %c0_i32_0 = arith.constant 0 : i32
    %c0_i32_1 = arith.constant 0 : i32
    return %c0_i32, %c0_i32_0 : i32, i32
  }
  func.func @transform_3(%arg0: i32, %arg1: i32) -> (i32, i32) {
    %c0_i32 = arith.constant 0 : i32
    %c0_i32_0 = arith.constant 0 : i32
    %c0_i32_1 = arith.constant 0 : i32
    return %c0_i32, %c0_i32_0 : i32, i32
  }
  func.func @transform_4(%arg0: i32, %arg1: i32) -> (i32, i32) {
    %mul3A = arith.constant 5 : i32
    %mul3A_0 = arith.muli %arg0, %mul3A : i32
    %add3A = arith.addi %mul3A_0, %arg1 : i32
    %c0_i32 = arith.constant 0 : i32
    %c0_i32_1 = arith.constant 0 : i32
    return %add3A, %c0_i32 : i32, i32
  }
  func.func @transform_5(%arg0: i32, %arg1: i32) -> (i32, i32) {
    %c0_i32 = arith.constant 0 : i32
    %c0_i32_0 = arith.constant 0 : i32
    %c0_i32_1 = arith.constant 0 : i32
    return %c0_i32, %c0_i32_0 : i32, i32
  }
  func.func @transform_6(%arg0: i32, %arg1: i32) -> (i32, i32) {
    %c0_i32 = arith.constant 0 : i32
    %c0_i32_0 = arith.constant 0 : i32
    %c0_i32_1 = arith.constant 0 : i32
    return %c0_i32, %c0_i32_0 : i32, i32
  }
}

module attributes {stable_mosaic.version = 14 : i64} {
  func.func @_stage_c(%arg0: i32, %arg1: i32, %arg2: memref<1000x32xf32, #tpu.memory_space<vmem>>, %arg3: memref<32x512xf32, #tpu.memory_space<vmem>>, %arg4: memref<1000x512xf32, #tpu.memory_space<vmem>>) attributes {dimension_semantics = [#tpu.dimension_semantics<parallel>, #tpu.dimension_semantics<arbitrary>], iteration_bounds = array<i64: 2, 5>, scalar_prefetch = 0 : i64, scratch_operands = 0 : i64, tpu.core_type = #tpu.core_type<tc>, window_params = [{transform_indices = @transform_0, window_bounds = array<i64: 1000, 32>}, {pipeline_mode = #tpu.pipeline_mode<synchronous>, transform_indices = @transform_1, window_bounds = array<i64: 32, 512>}, {transform_indices = @transform_2, window_bounds = array<i64: 1000, 512>}]} {
    %get3A = arith.constant 0 : index
    %get3A_0 = arith.constant 0 : index
    %get3A_1 = vector.load %arg2[%get3A, %get3A_0] : memref<1000x32xf32, #tpu.memory_space<vmem>>, vector<1000x32xf32>
    %reduce_sum3A = arith.constant dense<0.000000e+00> : vector<1000xf32>
    %reduce_sum3A_2 = vector.multi_reduction <add>, %get3A_1, %reduce_sum3A [1] : vector<1000x32xf32> to vector<1000xf32>
    %broadcast_in_dim3A = vector.shape_cast %reduce_sum3A_2 : vector<1000xf32> to vector<1000x1xf32>
    %get3A_3 = arith.constant 0 : index
    %get3A_4 = arith.constant 0 : index
    %get3A_5 = vector.load %arg3[%get3A_3, %get3A_4] : memref<32x512xf32, #tpu.memory_space<vmem>>, vector<32x512xf32>
    %dot_general3A = arith.constant dense<0.000000e+00> : vector<1000x512xf32>
    %dot_general3A_6 = tpu.matmul %get3A_1, %get3A_5, %dot_general3A {dimension_numbers = #tpu.dot_dimension_numbers<[1], [0], [0], [1], [0, 0, 1, 1], [], []>, transpose_lhs_hint = false} : vector<1000x32xf32>, vector<32x512xf32>, vector<1000x512xf32> -> vector<1000x512xf32>
    %div3A = vector.broadcast %broadcast_in_dim3A : vector<1000x1xf32> to vector<1000x512xf32>
    %div3A_7 = arith.divf %dot_general3A_6, %div3A : vector<1000x512xf32>
    %gt3A = arith.constant 0.000000e+00 : f32
    %gt3A_8 = vector.broadcast %gt3A : f32 to vector<1000x512xf32>
    %gt3A_9 = arith.cmpf ogt, %div3A_7, %gt3A_8 : vector<1000x512xf32>
    %exp3A = math.exp %div3A_7 : vector<1000x512xf32>
    %sub3A = arith.constant 1.000000e+00 : f32
    %sub3A_10 = vector.broadcast %sub3A : f32 to vector<1000x512xf32>
    %sub3A_11 = arith.subf %exp3A, %sub3A_10 : vector<1000x512xf32>
    %select_n3A = arith.select %gt3A_9, %div3A_7, %sub3A_11 : vector<1000x512xi1>, vector<1000x512xf32>
    %swap3A = arith.constant 0 : index
    %swap3A_12 = arith.constant 0 : index
    %swap3A_13 = vector.load %arg4[%swap3A, %swap3A_12] : memref<1000x512xf32, #tpu.memory_space<vmem>>, vector<1000x512xf32>
    tpu.vector_store %arg4[%swap3A, %swap3A_12], %select_n3A {strides = array<i32>} : memref<1000x512xf32, #tpu.memory_space<vmem>>, vector<1000x512xf32>,
    return
  }
  func.func @transform_0(%arg0: i32, %arg1: i32) -> (i32, i32) {
    %mul3A = arith.constant 5 : i32
    %mul3A_0 = arith.muli %arg0, %mul3A : i32
    %add3A = arith.addi %mul3A_0, %arg1 : i32
    %c0_i32 = arith.constant 0 : i32
    %c0_i32_1 = arith.constant 0 : i32
    return %add3A, %c0_i32 : i32, i32
  }
  func.func @transform_1(%arg0: i32, %arg1: i32) -> (i32, i32) {
    %c0_i32 = arith.constant 0 : i32
    %c0_i32_0 = arith.constant 0 : i32
    %c0_i32_1 = arith.constant 0 : i32
    return %c0_i32, %c0_i32_0 : i32, i32
  }
  func.func @transform_2(%arg0: i32, %arg1: i32) -> (i32, i32) {
    %mul3A = arith.constant 5 : i32
    %mul3A_0 = arith.muli %arg0, %mul3A : i32
    %add3A = arith.addi %mul3A_0, %arg1 : i32
    %c0_i32 = arith.constant 0 : i32
    %c0_i32_1 = arith.constant 0 : i32
    return %add3A, %c0_i32 : i32, i32
  }
}

</mosaic_0001>

<sc_bundles>
// kernel: kernel.5.cloned.1.call-start
scs
__scs_entry_jumppad:
0x0: {  	(pc) =	sbr.rel $0x88, $3  }
0x1: {  	(tag) =	ssettag $0x0;
	lr =	simm.s32 $0x1  }
0x2: {  	[smem:$0x3F9D] =	sst lr;
	_ =	strace $0xD0000000  }
0x3: {  	_ = 	snop  }
0x4: {  	_ = 	snop  }
0x5: {  	_ = 	snop  }
0x6: {  	_ = 	snop  }
0x7: {  	_ = 	snop  }
__scs_overlays_trampoline_lowered:
0x8: {  	[smem:$0x3FAC] =	sst s0  }
0x9: {  	[smem:$0x3FAD] =	sst s1  }
0xa: {  	[smem:$0x3FAE] =	sst s2  }
0xb: {  	[smem:$0x3FAF] =	sst s3  }
0xc: {  	[smem:$0x3FB0] =	sst s4  }
0xd: {  	[smem:$0x3FB1] =	sst s5  }
0xe: {  	[smem:$0x3FB2] =	sst s6  }
0xf: {  	[smem:$0x3FB3] =	sst s7  }
0x10: {  	[smem:$0x3FB4] =	sst s8  }
0x11: {  	[smem:$0x3FB5] =	sst s9;
	s0 =	simm.s32 @!p0 $0x0  }
0x12: {  	s1 =	sld [smem:$0x3F9B];
	s0 =	simm.s32 @p0 $0x1  }
0x13: {  	[smem:$0x3FB6] =	sst s0;
	s0 =	simm.s32 @!p1 $0x0  }
0x14: {  	s2 =	sld [smem:$0x3F9A];
	s0 =	simm.s32 @p1 $0x1  }
0x15: {  	[smem:$0x3FB7] =	sst s0;
	s0 =	simm.s32 @!p2 $0x0  }
0x16: {  	s3 =	sld [smem:$0x3FDB];
	s0 =	simm.s32 @p2 $0x1  }
0x17: {  	s4 =	simm.s32 $0x1BF5;
	[smem:$0x3FB9] =	sst s0  }
0x18: {  	s0 =	sld [smem:$0x3F9C];
	_ =	swait.ge [sflag:s4], $0x0  }
0x19: {  	s7 =	sld [smem:$0x3F9D]  }
0x1a: {  	s8 =	sadd.s32 $0xFFFFE003, lr  }
0x1b: {  	s9 =	sadd.s32 $0xFFFFFEF7, lr;
	s5 =	simm.s32 $0xFFFFFFFF;
	p2 =	slt.u32 s8, $0xFFFFF086  }
0x1c: {  	p1 =	slt.u32 s9, $0xF7A;
	s5 =	simm.s32 @!p2 $0x0  }
0x1d: {  	s5 =	simm.s32 @p1 $0x1;
	p0 =	seq.s32 s7, s2  }
0x1e: {  	s7 =	smul.u32 @!p0 $0xF7A, s2;
	p2 =	seq.s32 @!p0 s5, $0x0  }
0x1f: {  	s9 =	smul.u32 $0xF7A, s1;
	s8 =	simm.s32 @!p0 $0x1BF5;
	p2 =	por !p2, p0  }
0x20: {  	[sflag:s8] =	ssyncset.s32 @!p0 $0xFFFFF086;
	s6 =	sadd.s32 @!p0 s3, s7;
	s7 =	simm.s32 @!p0 $0x108  }
0x21: {  	s3 =	sadd.s32 s3, s9;
	s6 =	sadd.s32 @!p0 $0x88, s6;
	s7 =	simm.s32 @p2 $0x1082  }
0x22: {  	[simem:s7], [sflag:s8] =	dma.local @!p0 [hbm:s6], $0xF7A  }
0x23: {  	s9 =	sor.u32 $0xD0000000, s2;
	s6 =	simm.s32 $0x108;
	_ =	swait.ge @!p0 [sflag:s8], $0x0  }
0x24: {  	s3 =	sadd.s32 $0x88, s3;
	s6 =	simm.s32 @!p1 $0x1082;
	[sflag:s4] =	ssyncset.s32 $0xFFFFF086  }
0x25: {  	[simem:s6], [sflag:s4] =	dma.local [hbm:s3], $0xF7A  }
0x26: {  	[smem:$0x3F9D] =	sst s1;
	(tag) =	ssettag s2;
	_ =	strace s9  }
0x27: {  	s1 =	sld [smem:$0x3FAD]  }
0x28: {  	s2 =	sld [smem:$0x3FAE]  }
0x29: {  	s4 =	sld [smem:$0x3FB0]  }
0x2a: {  	p0 =	seq.s32 s5, $0x0;
	s5 =	sld [smem:$0x3FB1]  }
0x2b: {  	s6 =	sld [smem:$0x3FB2]  }
0x2c: {  	s7 =	sld [smem:$0x3FB3]  }
0x2d: {  	s3 =	simm.s32 $0x108;
	s8 =	sld [smem:$0x3FB4]  }
0x2e: {  	s3 =	simm.s32 @!p0 $0x1082;
	s9 =	sld [smem:$0x3FB5]  }
0x2f: {  	lr =	sadd.s32 s0, s3;
	s0 =	sld [smem:$0x3FAC]  }
0x30: {  	s3 =	sld [smem:$0x3FAF]  }
0x31: {  	[smem:$0x3FB8] =	sst s10  }
0x32: {  	s10 =	sld [smem:$0x3FB6];
	_ =	sdelay $0x3  }
0x33: {  	p0 =	seq.s32 s10, $0x1;
	s10 =	sld [smem:$0x3FB8];
	_ =	sdelay $0x3  }
0x34: {  	[smem:$0x3FB8] =	sst s10  }
0x35: {  	s10 =	sld [smem:$0x3FB7];
	_ =	sdelay $0x3  }
0x36: {  	p1 =	seq.s32 s10, $0x1;
	s10 =	sld [smem:$0x3FB8];
	_ =	sdelay $0x3  }
0x37: {  	[smem:$0x3FB8] =	sst s10  }
0x38: {  	s10 =	sld [smem:$0x3FB9]  }
0x39: {  	_ = 	snop;
	(pc) =	sbr.ind lr, $3  }
0x3a: {  	_ = 	snop  }
0x3b: {  	_ = 	snop  }
0x3c: {  	p2 =	seq.s32 s10, $0x1;
	s10 =	sld [smem:$0x3FB8]  }
0x3d: {  	_ =	shalt  }
0x3e: {  	_ =	shalt  }
0x3f: {  	_ =	shalt  }
0x40: {  	_ =	shalt  }
0x41: {  	_ =	shalt  }
0x42: {  	_ =	shalt  }
0x43: {  	_ =	shalt  }
0x44: {  	_ =	shalt  }
0x45: {  	_ =	shalt  }
0x46: {  	_ =	shalt  }
0x47: {  	_ =	shalt  }
0x48: {  	_ =	shalt  }
0x49: {  	_ =	shalt  }
0x4a: {  	_ =	shalt  }
0x4b: {  	_ =	shalt  }
0x4c: {  	_ =	shalt  }
0x4d: {  	_ =	shalt  }
0x4e: {  	_ =	shalt  }
0x4f: {  	_ =	shalt  }
0x50: {  	_ =	shalt  }
0x51: {  	_ =	shalt  }
0x52: {  	_ =	shalt  }
0x53: {  	_ =	shalt  }
0x54: {  	_ =	shalt  }
0x55: {  	_ =	shalt  }
0x56: {  	_ =	shalt  }
0x57: {  	_ =	shalt  }
0x58: {  	_ =	shalt  }
0x59: {  	_ =	shalt  }
0x5a: {  	_ =	shalt  }
0x5b: {  	_ =	shalt  }
0x5c: {  	_ =	shalt  }
0x5d: {  	_ =	shalt  }
0x5e: {  	_ =	shalt  }
0x5f: {  	_ =	shalt  }
0x60: {  	_ =	shalt  }
0x61: {  	_ =	shalt  }
0x62: {  	_ =	shalt  }
0x63: {  	_ =	shalt  }
0x64: {  	_ =	shalt  }
0x65: {  	_ =	shalt  }
0x66: {  	_ =	shalt  }
0x67: {  	_ =	shalt  }
0x68: {  	_ =	shalt  }
0x69: {  	_ =	shalt  }
0x6a: {  	_ =	shalt  }
0x6b: {  	_ =	shalt  }
0x6c: {  	_ =	shalt  }
0x6d: {  	_ =	shalt  }
0x6e: {  	_ =	shalt  }
0x6f: {  	_ =	shalt  }
0x70: {  	_ =	shalt  }
0x71: {  	_ =	shalt  }
0x72: {  	_ =	shalt  }
0x73: {  	_ =	shalt  }
0x74: {  	_ =	shalt  }
0x75: {  	_ =	shalt  }
0x76: {  	_ =	shalt  }
0x77: {  	_ =	shalt  }
0x78: {  	_ =	shalt  }
0x79: {  	_ =	shalt  }
0x7a: {  	_ =	shalt  }
0x7b: {  	_ =	shalt  }
0x7c: {  	_ =	shalt  }
0x7d: {  	_ =	shalt  }
0x7e: {  	_ =	shalt  }
0x7f: {  	_ =	shalt  }
0x80: {  	_ =	shalt  }
0x81: {  	_ =	shalt  }
0x82: {  	_ =	shalt  }
0x83: {  	_ =	shalt  }
0x84: {  	_ =	shalt  }
0x85: {  	_ =	shalt  }
0x86: {  	_ =	shalt  }
0x87: {  	_ =	shalt  }
.Lfunc_end0:
.L_simem_size_0:
called_computation_lowered:
.L_overlay_start_0:
0x88: {  	s2 =	sld [smem:$0x3FD9]  }
0x89: {  	s3 =	sld [smem:$0x3FFE];
	_ =	sdelay $0x1  }
0x8a: {  	s1 =	srdreg.scid  }
0x8b: {  	s0 =	sand.u32 $0x1, s1  }
0x8c: {  	s17 =	sshll.u32 s0, $0xA;
	s2 =	sadd.s32 s3, s2  }
0x8d: {  	s2 =	sadd.s32 s2, s17  }
0x8e: {  	[smem:$0x3FC4] =	sst s2  }
0x8f: {  	_ = 	snop  }
0x90: {  	s2 =	sld [smem:$0x3FD0];
	(tm) =	ssettm $0x1  }
0x91: {  	s18 =	sld [smem:$0x3FFB];
	_ =	sdelay $0x3  }
0x92: {  	_ =	strace s18  }
0x93: {  	s3 =	sld [smem:$0x3FFC];
	_ =	sdelay $0x3  }
0x94: {  	_ =	strace s3  }
0x95: {  	s3 =	sld [smem:$0x3FFD];
	_ =	sdelay $0x3  }
0x96: {  	_ =	strace s3  }
0x97: {  	_ =	strace $0x8FFFFFFF  }
0x98: {  	s19 =	sld [smem:$0x3FDB];
	_ =	sdelay $0x1  }
0x99: {  	s4 =	simm.s32 $_scs_section_size  }
0x9a: {  	s5 =	simm.s32 $_size__tile_overlayer_lowered;
	s6 =	simm.s32 $_tile_overlayer_lowered  }
0x9b: {  	s22 =	simm.s32 $0x1BFF;
	s21 =	sshll.u32 s6, $0x1;
	s3 =	sadd.s32 s4, s19  }
0x9c: {  	s7 =	simm.s32 $0x0;
	s20 =	sshll.u32 s5, $0x1;
	s5 =	sadd.s32 s21, s3  }
0x9d: {  	[timem:s7], [sflag:s22] =	dma.local [hbm:s5], s20  }
0x9e: {  	_ =	swait.ge [sflag:s22], s20  }
0x9f: {  	s4 =	ssub.s32 $0x0, s20;
	[sflag:s22] =	ssyncset.done $0x0  }
0xa0: {  	[sflag:s22] =	ssyncadd.s32 s4;
	_ =	sdelay $0x1  }
0xa1: {  	s23 =	simm.s32 $0x1B8B  }
0xa2: {  	_ =	swait.ge [sflag:s23], $0x1  }
0xa3: {  	[sflag:s23] =	ssyncset.done $0x0  }
0xa4: {  	s25 =	simm.s32 $0x1B8E;
	s24 =	sld [smem:$0x3FFE];
	[sflag:s23] =	ssyncadd.s32 $0xFFFFFFFF  }
0xa5: {  	s26 =	simm.s32 $execute0_lowered;
	[smem:$0x3FD2] =	sst s25  }
0xa6: {  	s5 =	sshll.u32 s26, $0x1;
	_ =	strace $0x80000046;
	[dreg:$0x1] =	wrdreg $0xFFFFFFFF  }
0xa7: {  	s28 =	simm.s32 $_size_execute0_lowered;
	s3 =	sadd.s32 s3, s5;
	[dreg:$0x0] =	wrdreg $0x0  }
0xa8: {  	s5 =	sshll.u32 s28, $0x1;
	[dreg:$0x2] =	wrdreg s3  }
0xa9: {  	[dreg:$0x3] =	wrdreg s5  }
0xaa: {  	[dreg:$0x4] =	wrdreg $0xC0  }
0xab: {  	_ =	task [dreg:s7], $0x5FFFF  }
0xac: {  	[dreg:$0x1] =	wrdreg $0xFFFFFFFF  }
0xad: {  	[dreg:$0x0] =	wrdreg $0x60  }
0xae: {  	[dreg:$0x2] =	wrdreg s2  }
0xaf: {  	[dreg:$0x3] =	wrdreg s24  }
0xb0: {  	[dreg:$0x4] =	wrdreg $0x9  }
0xb1: {  	_ =	task.clear_ibuf [dreg:s7], $0x5FFFF;
	_ =	strace $0x90000046  }
0xb2: {  	s29 =	simm.s32 $0x9;
	_ =	strace $0x80000048  }
0xb3: {  	_ =	swait.ge [sflag:s29], $0x1  }
0xb4: {  	[sflag:s29] =	ssyncadd.s32 $0xFFFFFFFF  }
0xb5: {  	_ =	strace $0x90000048  }
0xb6: {  	_ =	sfence  }
0xb7: {  	s30 =	sld [smem:$0x0];
	_ =	sdelay $0x2  }
0xb8: {  	s31 =	sshll.u32 s1, $0xD;
	s1 =	sshrl.u32 s1, $0x2  }
0xb9: {  	s3 =	sand.u32 $0x4000, s31;
	s1 =	sadd.s32 s1, s30  }
0xba: {  	s0 =	sor.u32 s3, s0;
	s1 =	sshll.u32 s1, $0x11  }
0xbb: {  	s0 =	sor.u32 s1, s0  }
0xbc: {  	s0 =	sadd.s32 $0x8F2B, s0  }
0xbd: {  	[sflag:s0] =	ssyncadd.remote.s32 $0x1  }
0xbe: {  	_ =	sfence.sel $0xFFFF  }
0xbf: {  	[dreg:$0x0] =	wrdreg $0xFFFFFFFF;
	(pc) =	sbr.abs _section_cstart, $3  }
0xc0: {  	[dreg:$0x1] =	wrdreg $0xFFFFFFFF  }
0xc1: {  	_ =	task.clear_ibuf [dreg:s7], $0x2FFFF;
	_ =	strace $0x9FFFFFFF  }
0xc2: {  	(tm) =	ssettm $0x7FFFFFFF  }
0xc3: {  	_ =	shalt  }
tec
execute0_lowered:
.L_overlay_start_1:
0x0: {  	(tag) =	ssettag $0x1  }
0x1: {  	s4 =	rddreg [dreg:$0x0];
	s1 =	srdreg.scid  }
0x2: {  	s0 =	stileid.u32;
	s5 =	rddreg [dreg:$0x1];
	s2 =	simm.s32 $0x0  }
0x3: {  	s10 =	simm.s32 $0x2800;
	s11 =	simm.s32 $0x4F80;
	s12 =	simm.s32 $0x0  }
0x4: {  	s3 =	sand.u32 $0x1, s1;
	s6 =	sshll.u32 s0, $0x1;
	s1 =	rddreg [dreg:$0x2]  }
0x5: {  	[smem:$0x7FF] =	sst s2;
	s6 =	sor.u32 s3, s6;
	s7 =	ssub.s32 $0x2, s3  }
0x6: {  	_ =	strace $0x80000047;
	s6 =	smul.u32 $0x4E4, s6;
	s8 =	sshrl.u32 s7, $0x1  }
0x7: {  	s3 =	sadd.s32 $0xAA00, s5;
	s7 =	ssub.s32 s7, s8;
	s8 =	simm.s32 $0x1  }
0x8: {  	s9 =	sadd.s32 s6, s5;
	s4 =	sadd.s32 s4, s6;
	s7 =	smax.u32 s7, $0x1  }
0x9: {  	s5 =	sadd.s32 $0xC00, s9;
	s6 =	sadd.s32 $0xAC00, s9;
	s9 =	simm.s32 $0x2780  }
.LBB2_1:
0xa: {  	[tilespmem:s2], [sflag:$0x1] =	stream.linear.gather [hbm4b:s4+s2], $0x2720, $0x38;
	[tilespmem:$0x7700] =	vst v63  }
0xb: {  	_ =	swait.ge [sflag:s8], $0x2720  }
0xc: {  	[sflag:s8] =	ssyncset.done $0x0  }
0xd: {  	[sflag:s8] =	ssyncadd.s32 $0xFFFFD8E0  }
0xe: {  	[tilespmem:s9], [sflag:$0x1] =	stream.linear.gather [hbm4b:s3+s2], $0x80, $0x38;
	[tilespmem:$0x7700] =	vst v63  }
0xf: {  	_ =	swait.ge [sflag:s8], $0x80  }
0x10: {  	[sflag:s8] =	ssyncset.done $0x0  }
0x11: {  	[sflag:s8] =	ssyncadd.s32 $0xFFFFFF80  }
0x12: {  	[tilespmem:s10], [sflag:$0x1] =	stream.linear.gather [hbm4b:s5+s2], $0x2720, $0x38;
	[tilespmem:$0x7700] =	vst v63  }
0x13: {  	_ =	swait.ge [sflag:s8], $0x2720  }
0x14: {  	[sflag:s8] =	ssyncset.done $0x0  }
0x15: {  	[sflag:s8] =	ssyncadd.s32 $0xFFFFD8E0  }
0x16: {  	s15 =	simm.s32 $0x0;
	v1 =	vld [tilespmem:$0x2790]  }
0x17: {  	v2 =	vld [tilespmem:s15+$0x10]  }
0x18: {  	v0 =	vld [tilespmem:$0x2780]  }
0x19: {  	v3 =	vld [tilespmem:s15+$0x0]  }
0x1a: {  	s14 =	simm.s32 $0x20  }
0x1b: {  	v5 =	vld [tilespmem:s14+$0x10]  }
0x1c: {  	v6 =	vld [tilespmem:s14+$0x0];
	v2 =	vadd.f32 v2, v1  }
0x1d: {  	v4 =	vld [tilespmem:s15+$0x2800]  }
0x1e: {  	v3 =	vadd.f32 v3, v0;
	v7 =	vmul.f32 $2.000000030e-01, v2  }
0x1f: {  	s13 =	simm.s32 $0x40;
	vm0 =	vge.f32 v2, $0.0e+00  }
0x20: {  	v10 =	vld [tilespmem:s13+$0x2800];
	v5 =	vadd.f32 v5, v1;
	v8 =	vmul.f32 $2.000000030e-01, v3;
	v2 =	vsel vm0, v2, v7  }
0x21: {  	v6 =	vadd.f32 v6, v0;
	vm1 =	vge.f32 v3, $0.0e+00;
	v7 =	vld [tilespmem:s14+$0x2800];
	v2 =	vsub.f32 $0.0e+00, v2  }
0x22: {  	v9 =	vmul.f32 $2.000000030e-01, v5;
	v3 =	vsel vm1, v3, v8;
	vm0 =	veq.s32 v4, $0x0;
	v4 =	vld [tilespmem:s13+$0x10]  }
0x23: {  	v11 =	vmul.f32 $2.000000030e-01, v6;
	v8 =	vld [tilespmem:s13+$0x0];
	v3 =	vsub.f32 $0.0e+00, v3;
	v2 =	vmul.f32 $1.442695020e+00, v2  }
0x24: {  	vm2 =	vge.f32 v6, $0.0e+00;
	vm1 =	vge.f32 v5, $0.0e+00;
	vm0 =	vmmov vm0  }
0x25: {  	vm0 =	vmmov vm0;
	v3 =	vmul.f32 $1.442695020e+00, v3;
	(erf) = vpow2.f32 v2  }
0x26: {  	vm15 =	vmmov vm0;
	v2 =	vsel vm1, v5, v9;
	vm1 =	veq.s32 v7, $0x0  }
0x27: {  	s16 =	simm.s32 $0x60;
	v2 =	vsub.f32 $0.0e+00, v2;
	(erf) = vpow2.f32 v3;
	v3 =	vadd.f32 v4, v1  }
0x28: {  	v5 =	vsel vm2, v6, v11;
	v6 =	vld [tilespmem:s16+$0x10];
	v7 =	vadd.f32 v8, v0;
	vm2 =	veq.s32 v10, $0x0  }
0x29: {  	v4 =	vsub.f32 $0.0e+00, v5;
	v5 =	vld [tilespmem:s15+$0x2810];
	v2 =	vmul.f32 $1.442695020e+00, v2;
	v8 =	vmul.f32 $2.000000030e-01, v3  }
0x2a: {  	v9 =	vld [tilespmem:s16+$0x0];
	v10 =	vmul.f32 $2.000000030e-01, v7;
	vm4 =	vge.f32 v7, $0.0e+00;
	vm3 =	vge.f32 v3, $0.0e+00  }
0x2b: {  	v11 =	vld [tilespmem:s16+$0x2800];
	v4 =	vmul.f32 $1.442695020e+00, v4;
	(erf) = vpow2.f32 v2;
	v2 =	vsel vm3, v3, v8  }
0x2c: {  	vm1 =	vmmov vm1;
	v3 =	vsel vm4, v7, v10;
	v2 =	vsub.f32 $0.0e+00, v2  }
0x2d: {  	vm0 =	vmmov vm2;
	(erf) = vpow2.f32 v4;
	v4 =	vsub.f32 $0.0e+00, v3  }
0x2e: {  	s17 =	simm.s32 $0x80;
	v6 =	vadd.f32 v6, v1;
	vm3 =	veq.s32 v5, $0x0;
	v3 =	vld [tilespmem:s14+$0x2810];
	v2 =	vmul.f32 $1.442695020e+00, v2;
	v5 =	vpop (erf)  }
0x2f: {  	v7 =	vadd.f32 v9, v0;
	v10 =	vmul.f32 $1.442695020e+00, v4;
	v8 =	vsel vm3, $0x0, v5;
	v5 =	vld [tilespmem:s17+$0x10]  }
0x30: {  	vm2 =	veq.s32 v11, $0x0;
	v9 =	vmul.f32 $2.000000030e-01, v6;
	(erf) = vpow2.f32 v2  }
0x31: {  	v11 =	vmul.f32 $2.000000030e-01, v7;
	v4 =	vld [tilespmem:s17+$0x0];
	vm3 =	vge.f32 v6, $0.0e+00;
	v12 =	vpop (erf);
	[tilespmem:s15+$0x4F90] =	vst v8;
	(erf) = vpow2.f32 v10  }
0x32: {  	vm1 =	vmmov vm1;
	vm5 =	vge.f32 v7, $0.0e+00;
	v6 =	vsel vm3, v6, v9;
	v2 =	vld [tilespmem:s17+$0x2800]  }
0x33: {  	s18 =	simm.s32 $0x280;
	v8 =	vsel vm5, v7, v11;
	v7 =	vsel vm15, $0x0, v12;
	v6 =	vsub.f32 $0.0e+00, v6  }
.LBB2_2:
0x34: {  	s19 =	sshra.s32 s18, $0x2;
	p0 =	sne.s32 s18, $0x9C00;
	s18 =	sadd.s32 $0x80, s18;
	v9 =	vadd.f32 v5, v1;
	v8 =	vsub.f32 $0.0e+00, v8;
	vm3 =	veq.s32 v3, $0x0  }
0x35: {  	v3 =	vld [tilespmem:s13+$0x2810];
	v10 =	vpop (erf);
	[tilespmem:s15+$0x4F80] =	vst v7;
	vm4 =	vmmov vm1;
	vm1 =	vmmov vm0;
	vm0 =	vmmov vm2;
	s15 =	smov.u32 s14;
	s14 =	smov.u32 s13;
	s13 =	smov.u32 s16  }
.Ltmp0:
0x36: {  	s16 =	smov.u32 s17;
	v5 =	vld [tilespmem:s19+$0x10];
	v7 =	vadd.f32 v4, v0;
	v6 =	vmul.f32 $1.442695020e+00, v6;
	v10 =	vsel vm3, $0x0, v10;
	v11 =	vpop (erf);
	s17 =	smov.u32 s19;
	(pc) =	sbr.rel @p0 .LBB2_2-.Ltmp0, $4  }
0x37: {  	v4 =	vld [tilespmem:s17+$0x0];
	vm2 =	veq.s32 v2, $0x0;
	v12 =	vmul.f32 $2.000000030e-01, v9;
	v8 =	vmul.f32 $1.442695020e+00, v8;
	[tilespmem:s15+$0x4F90] =	vst v10  }
0x38: {  	vm3 =	vge.f32 v9, $0.0e+00;
	v2 =	vld [tilespmem:s17+$0x2800];
	v10 =	vmul.f32 $2.000000030e-01, v7;
	(erf) = vpow2.f32 v6  }
0x39: {  	vm5 =	vge.f32 v7, $0.0e+00;
	v6 =	vsel vm3, v9, v12;
	(erf) = vpow2.f32 v8  }
0x3a: {  	v8 =	vsel vm5, v7, v10;
	v6 =	vsub.f32 $0.0e+00, v6;
	v7 =	vsel vm4, $0x0, v11  }
0x3b: {  	v1 =	vadd.f32 v5, v1  }
0x3c: {  	v0 =	vadd.f32 v4, v0  }
0x3d: {  	v47 =	vmul.f32 $2.000000030e-01, v1  }
0x3e: {  	vm3 =	vge.f32 v1, $0.0e+00;
	v48 =	vmul.f32 $2.000000030e-01, v0  }
0x3f: {  	v8 =	vsub.f32 $0.0e+00, v8;
	vm8 =	vge.f32 v0, $0.0e+00;
	v1 =	vsel vm3, v1, v47  }
0x40: {  	v49 =	vld [tilespmem:s13+$0x2810];
	v6 =	vmul.f32 $1.442695020e+00, v6;
	v0 =	vsel vm8, v0, v48;
	v1 =	vsub.f32 $0.0e+00, v1  }
0x41: {  	v50 =	vmul.f32 $1.442695020e+00, v8;
	v0 =	vsub.f32 $0.0e+00, v0  }
0x42: {  	v51 =	vpop (erf);
	(erf) = vpow2.f32 v6;
	v1 =	vmul.f32 $1.442695020e+00, v1  }
0x43: {  	vm9 =	veq.s32 v3, $0x0;
	(erf) = vpow2.f32 v50;
	v0 =	vmul.f32 $1.442695020e+00, v0  }
0x44: {  	[tilespmem:s15+$0x4F80] =	vst v7;
	vm1 =	vmmov vm1;
	v3 =	vsel vm9, $0x0, v51;
	v52 =	vpop (erf);
	(erf) = vpow2.f32 v1  }
0x45: {  	[tilespmem:s14+$0x4F90] =	vst v3;
	v53 =	vsel vm1, $0x0, v52;
	vm10 =	veq.s32 v49, $0x0;
	v54 =	vpop (erf);
	(erf) = vpow2.f32 v0  }
0x46: {  	v3 =	vld [tilespmem:s16+$0x2810];
	[tilespmem:s14+$0x4F80] =	vst v53;
	v55 =	vsel vm10, $0x0, v54  }
0x47: {  	[tilespmem:s13+$0x4F90] =	vst v55  }
0x48: {  	v0 =	vld [tilespmem:s17+$0x2810]  }
0x49: {  	vm0 =	vmmov vm0  }
0x4a: {  	vm11 =	vmmov vm2;
	vm0 =	vmmov vm0;
	vm12 =	veq.s32 v2, $0x0;
	v56 =	vpop (erf)  }
0x4b: {  	vm1 =	vmmov vm11;
	vm13 =	veq.s32 v3, $0x0;
	v1 =	vsel vm0, $0x0, v56;
	v57 =	vpop (erf)  }
0x4c: {  	vm2 =	vmmov vm12;
	vm1 =	vmmov vm1;
	[tilespmem:s13+$0x4F80] =	vst v1;
	v58 =	vsel vm13, $0x0, v57;
	v59 =	vpop (erf)  }
0x4d: {  	vm14 =	vmmov vm2;
	[tilespmem:s16+$0x4F90] =	vst v58;
	v60 =	vsel vm1, $0x0, v59;
	vm15 =	veq.s32 v0, $0x0;
	v61 =	vpop (erf)  }
0x4e: {  	s12 =	sadd.s32 $0x1, s12;
	vm0 =	vmmov vm14;
	[tilespmem:s16+$0x4F80] =	vst v60;
	v0 =	vsel vm15, $0x0, v61;
	v62 =	vpop (erf)  }
0x4f: {  	p0 =	sne.s32 s12, s7;
	[tilespmem:s17+$0x4F90] =	vst v0;
	v63 =	vsel vm0, $0x0, v62  }
.Ltmp1:
0x50: {  	[tilespmem:s17+$0x4F80] =	vst v63;
	(pc) =	sbr.rel @p0 .LBB2_1-.Ltmp1, $4  }
0x51: {  	[hbm4b:s6+s2] =	stream.linear.scatter [tilespmem:s11], [sflag:$0x1], $0x2720, $0x38;
	[tilespmem:$0x7700] =	vst v63  }
0x52: {  	_ =	swait.ge [sflag:s8], $0x2720  }
0x53: {  	[sflag:s8] =	ssyncset.done $0x0  }
0x54: {  	[sflag:s8] =	ssyncadd.s32 $0xFFFFD8E0  }
0x55: {  	_ =	sfence.sel $0x180000  }
0x56: {  	[bflag:$0x0] =	sbarrier.arrive $0xFFFF  }
0x57: {  	p0 =	sne.s32 s0, $0x0;
	_ =	strace $0x90000047  }
0x58: {  	s0 =	sadd.s32 @!p0 $0x100000, s1;
	[bflag:$0x2] =	sbarrier.arrive $0xFFFF  }
0x59: {  	[sflag:s0] =	ssyncadd.tile.s32 @!p0 $0x1;
	_ =	shalt  }
.Lfunc_end2:
_tile_overlayer_lowered:
.L_overlay_start_2:
0x5a: {  	(tag) =	ssettag $0x2  }
0x5b: {  	s0 =	rddreg [dreg:$0x0];
	s2 =	stileid.u32  }
0x5c: {  	s1 =	rddreg [dreg:$0x1];
	p0 =	sne.s32 s2, $0x0  }
0x5d: {  	s3 =	rddreg [dreg:$0x2];
	[bflag:$0x3] =	sbarrier.arrive $0xFFFF;
	s2 =	simm.s32 @!p0 $0x1C01  }
0x5e: {  	[timem:s3], [sflag:s2] =	dma.local @!p0 [hbm:s0], s1  }
0x5f: {  	s0 =	simm.s32 @!p0 $0x1  }
0x60: {  	_ =	swait.ge @!p0 [sflag:s0], s1  }
0x61: {  	s1 =	ssub.s32 @!p0 $0x0, s1;
	[sflag:s0] =	ssyncset.done @!p0 $0x0  }
0x62: {  	[sflag:s0] =	ssyncadd.s32 @!p0 s1  }
0x63: {  	[bflag:$0x3] =	sbarrier.arrive $0xFFFF  }
0x64: {  	_ =	shalt  }

</sc_bundles>
